<compile_context>
chip_gen: v7x
topology: tpu7x:2x2x1
jax: 0.10.2.dev20260603
libtpu: 0.0.44.dev20260713+nightly
codegen_flags: <defaults>
</compile_context>

<pallas_src>
import functools

import jax
import jax.numpy as jnp
from jax import lax
from jax.experimental import pallas as pl
from jax.experimental.pallas import tpu as pltpu
from jax.experimental.pallas import tpu_sc as plsc

D_MODEL = 128
MAX_DEPTH = 300
N_IDX = 819200

NC = 2
NS = 16
NW = NC * NS
B_PER_W = N_IDX // NW
CHUNK = 128
N_CHUNKS = B_PER_W // CHUNK
NBUF = 4
N_ROUNDS = N_CHUNKS // NBUF

_mesh = plsc.VectorSubcoreMesh(core_axis_name="c", subcore_axis_name="s")


@functools.partial(
    pl.kernel,
    out_type=jax.ShapeDtypeStruct((N_IDX, D_MODEL), jnp.float32),
    mesh=_mesh,
    scratch_types=[
        pltpu.VMEM((N_CHUNKS, CHUNK), jnp.int32),
        pltpu.VMEM_SHARED((MAX_DEPTH, D_MODEL), jnp.float32),
        [pltpu.VMEM((CHUNK, D_MODEL), jnp.float32) for _ in range(NBUF)],
        [pltpu.SemaphoreType.DMA for _ in range(NBUF)],
        [pltpu.SemaphoreType.DMA for _ in range(NBUF)],
    ],
)
def _gather_kernel(x_hbm, pe_hbm, out_hbm, idx_v, pe_sh, rows, gsem, ssem):
    wid = lax.axis_index("s") * NC + lax.axis_index("c")
    base = wid * B_PER_W
    @pl.when(lax.axis_index("s") == 0)
    def _():
        pltpu.sync_copy(pe_hbm, pe_sh)

    pltpu.sync_copy(x_hbm.at[wid], idx_v)
    plsc.subcore_barrier()

    def start_gather(i, b):
        pltpu.async_copy(pe_sh.at[idx_v.at[i]], rows[b], gsem[b], priority=1)

    def wait_gather(i, b):
        pltpu.make_async_copy(pe_sh.at[idx_v.at[i]], rows[b], gsem[b]).wait()

    def start_store(i, b):
        pltpu.async_copy(rows[b], out_hbm.at[pl.ds(base + i * CHUNK, CHUNK)],
                         ssem[b])

    def wait_store(i, b):
        pltpu.make_async_copy(
            rows[b], out_hbm.at[pl.ds(base + i * CHUNK, CHUNK)], ssem[b]
        ).wait()

    for b in range(NBUF):
        start_gather(b, b)

    def round_body(r, carry):
        i0 = r * NBUF
        for b in range(NBUF):
            wait_gather(i0 + b, b)
            start_store(i0 + b, b)
        for b in range(NBUF):
            wait_store(i0 + b, b)
            start_gather(i0 + NBUF + b, b)
        return carry

    lax.fori_loop(0, N_ROUNDS - 1, round_body, 0)

    i0 = (N_ROUNDS - 1) * NBUF
    for b in range(NBUF):
        wait_gather(i0 + b, b)
        start_store(i0 + b, b)
    for b in range(NBUF):
        wait_store(i0 + b, b)


def kernel(x, pe):
    x3 = x.astype(jnp.int32).reshape(NW, N_CHUNKS, CHUNK)
    return _gather_kernel(x3, pe)

# --- scband reference (transcript-rebuilt; emitter-appended) ---
"""Pipeline reference for scband-depth-positional-encoding-77403900609216 (READ-ONLY COPY).

The authoritative reference and input builder live on the scoring server;
editing this copy changes nothing except your own understanding.
"""

import math
import jax, jax.numpy as jnp
import numpy as np

D_MODEL = 128
MAX_DEPTH = 300
N_IDX = 819200

def _build_pe():
    depths = np.arange(MAX_DEPTH, dtype=np.float32)[:, None]
    div_term = np.exp(np.arange(0, D_MODEL, 2, dtype=np.float32) * (-math.log(10000.0) / D_MODEL))
    pe = np.zeros((MAX_DEPTH, D_MODEL), dtype=np.float32)
    pe[:, 0::2] = np.sin(depths * div_term)
    pe[:, 1::2] = np.cos(depths * div_term)
    return jnp.asarray(pe)

def setup_inputs(seed: int = 0) -> dict:
    key = jax.random.key(seed)
    x = jax.random.randint(key, (N_IDX,), 0, MAX_DEPTH, dtype=jnp.int64 if jax.config.jax_enable_x64 else jnp.int32)
    pe = _build_pe()
    return {"x": x, "pe": pe}

def reference(x, pe):
    # torch.index_select(pe, 0, x); dropout with p=0.0 is identity
    return jnp.take(pe, x, axis=0)

if __name__ == "__main__":
    import jax
    _d = setup_inputs()
    print(jax.jit(kernel)(*tuple(_d.values())))

</pallas_src>

<mosaic_0001>
#map = affine_map<(d0, d1) -> (0, 0, 0)>
#map1 = affine_map<(d0, d1) -> (0, 0)>
module attributes {stable_mosaic.version = 14 : i64} {
  func.func @_gather_kernel(%arg0: i32, %arg1: i32, %arg2: memref<32x200x128xi32, #tpu.memory_space<hbm>>, %arg3: memref<300x128xf32, #tpu.memory_space<hbm>>, %arg4: memref<819200x128xf32, #tpu.memory_space<hbm>>, %arg5: memref<200x128xi32, #tpu.memory_space<vmem>>, %arg6: memref<300x128xf32, #tpu.memory_space<vmem_shared>>, %arg7: memref<128x128xf32, #tpu.memory_space<vmem>>, %arg8: memref<128x128xf32, #tpu.memory_space<vmem>>, %arg9: memref<128x128xf32, #tpu.memory_space<vmem>>, %arg10: memref<128x128xf32, #tpu.memory_space<vmem>>, %arg11: memref<!tpu.dma_semaphore, #tpu.memory_space<semaphore_mem>>, %arg12: memref<!tpu.dma_semaphore, #tpu.memory_space<semaphore_mem>>, %arg13: memref<!tpu.dma_semaphore, #tpu.memory_space<semaphore_mem>>, %arg14: memref<!tpu.dma_semaphore, #tpu.memory_space<semaphore_mem>>, %arg15: memref<!tpu.dma_semaphore, #tpu.memory_space<semaphore_mem>>, %arg16: memref<!tpu.dma_semaphore, #tpu.memory_space<semaphore_mem>>, %arg17: memref<!tpu.dma_semaphore, #tpu.memory_space<semaphore_mem>>, %arg18: memref<!tpu.dma_semaphore, #tpu.memory_space<semaphore_mem>>) attributes {dimension_semantics = [#tpu.dimension_semantics<core_parallel>, #tpu.dimension_semantics<subcore_parallel>], iteration_bounds = array<i64: 2, 16>, scalar_prefetch = 0 : i64, scratch_operands = 14 : i64, tpu.core_type = #tpu.core_type<sc_vector_subcore>, window_params = [{transform_indices = #map}, {transform_indices = #map1}, {transform_indices = #map1}]} {
    %mul3A = arith.constant 2 : i32
    %mul3A_0 = arith.muli %arg1, %mul3A : i32
    %add3A = arith.addi %mul3A_0, %arg0 : i32
    %mul3A_1 = arith.constant 25600 : i32
    %mul3A_2 = arith.muli %add3A, %mul3A_1 : i32
    %eq3A = arith.constant 0 : i32
    %eq3A_3 = arith.cmpi eq, %arg1, %eq3A : i32
    %convert_element_type3A = arith.extui %eq3A_3 : i1 to i32
    %cond3A = arith.constant 0 : i32
    %cond3A_4 = arith.cmpi ne, %convert_element_type3A, %cond3A : i32
    scf.if %cond3A_4 {
      "tpu.region"() ({
        %run_scoped3A = tpu.sem_alloc : memref<!tpu.dma_semaphore, #tpu.memory_space<semaphore_mem>>
        tpu.enqueue_dma source(%arg3 : memref<300x128xf32, #tpu.memory_space<hbm>>) target(%arg6 : memref<300x128xf32, #tpu.memory_space<vmem_shared>>) target_semaphore(%run_scoped3A : memref<!tpu.dma_semaphore, #tpu.memory_space<semaphore_mem>>)
        tpu.wait_dma2 semaphore(%run_scoped3A : memref<!tpu.dma_semaphore, #tpu.memory_space<semaphore_mem>>) src(%arg3 : memref<300x128xf32, #tpu.memory_space<hbm>>) dst(%arg6 : memref<300x128xf32, #tpu.memory_space<vmem_shared>>)
        tpu.yield
      }) : () -> ()
    } else {
    }
    "tpu.region"() ({
      %run_scoped3A = tpu.sem_alloc : memref<!tpu.dma_semaphore, #tpu.memory_space<semaphore_mem>>
      %dma_start3A_112 = arith.constant 0 : i32
      %dma_start3A_113 = arith.constant 0 : i32
      %dma_start3A_114 = tpu.memref_slice %arg2[%add3A, %dma_start3A_112, %dma_start3A_113] : memref<32x200x128xi32, #tpu.memory_space<hbm>> -> memref<1x200x128xi32, #tpu.memory_space<hbm>>
      %dma_start3A_115 = tpu.memref_squeeze %dma_start3A_114 : memref<1x200x128xi32, #tpu.memory_space<hbm>> -> memref<200x128xi32, #tpu.memory_space<hbm>>
      %dma_start3A_116 = arith.constant 0 : i32
      %dma_start3A_117 = arith.constant 0 : i32
      %dma_start3A_118 = tpu.memref_slice %arg2[%add3A, %dma_start3A_116, %dma_start3A_117] : memref<32x200x128xi32, #tpu.memory_space<hbm>> -> memref<1x200x128xi32, #tpu.memory_space<hbm>>
      %dma_start3A_119 = tpu.memref_squeeze %dma_start3A_118 : memref<1x200x128xi32, #tpu.memory_space<hbm>> -> memref<200x128xi32, #tpu.memory_space<hbm>>
      tpu.enqueue_dma source(%dma_start3A_119 : memref<200x128xi32, #tpu.memory_space<hbm>>) target(%arg5 : memref<200x128xi32, #tpu.memory_space<vmem>>) target_semaphore(%run_scoped3A : memref<!tpu.dma_semaphore, #tpu.memory_space<semaphore_mem>>)
      %dma_wait3A_120 = arith.constant 0 : i32
      %dma_wait3A_121 = arith.constant 0 : i32
      %dma_wait3A_122 = tpu.memref_slice %arg2[%add3A, %dma_wait3A_120, %dma_wait3A_121] : memref<32x200x128xi32, #tpu.memory_space<hbm>> -> memref<1x200x128xi32, #tpu.memory_space<hbm>>
      %dma_wait3A_123 = tpu.memref_squeeze %dma_wait3A_122 : memref<1x200x128xi32, #tpu.memory_space<hbm>> -> memref<200x128xi32, #tpu.memory_space<hbm>>
      %dma_wait3A_124 = arith.constant 0 : i32
      %dma_wait3A_125 = arith.constant 0 : i32
      %dma_wait3A_126 = tpu.memref_slice %arg2[%add3A, %dma_wait3A_124, %dma_wait3A_125] : memref<32x200x128xi32, #tpu.memory_space<hbm>> -> memref<1x200x128xi32, #tpu.memory_space<hbm>>
      %dma_wait3A_127 = tpu.memref_squeeze %dma_wait3A_126 : memref<1x200x128xi32, #tpu.memory_space<hbm>> -> memref<200x128xi32, #tpu.memory_space<hbm>>
      tpu.wait_dma2 semaphore(%run_scoped3A : memref<!tpu.dma_semaphore, #tpu.memory_space<semaphore_mem>>) src(%dma_wait3A_127 : memref<200x128xi32, #tpu.memory_space<hbm>>) dst(%arg5 : memref<200x128xi32, #tpu.memory_space<vmem>>)
      tpu.yield
    }) : () -> ()
    %barrier3A = arith.constant 0 : index
    tpu.barrier barrier_id(%barrier3A)
    %dma_start3A = arith.constant 0 : i32
    %dma_start3A_5 = arith.constant 0 : i32
    %dma_start3A_6 = tpu.memref_slice %arg5[%dma_start3A, %dma_start3A_5] : memref<200x128xi32, #tpu.memory_space<vmem>> -> memref<1x128xi32, #tpu.memory_space<vmem>>
    %dma_start3A_7 = tpu.memref_squeeze %dma_start3A_6 : memref<1x128xi32, #tpu.memory_space<vmem>> -> memref<128xi32, #tpu.memory_space<vmem>>
    %dma_start3A_8 = arith.constant 0 : i32
    %dma_start3A_9 = arith.constant 0 : i32
    %dma_start3A_10 = tpu.memref_slice %arg6[%dma_start3A_8, %dma_start3A_9] : memref<300x128xf32, #tpu.memory_space<vmem_shared>> -> memref<300x128xf32, #tpu.memory_space<vmem_shared>>
    tpu.enqueue_indirect_dma source(%dma_start3A_10 : memref<300x128xf32, #tpu.memory_space<vmem_shared>>) target(%arg7 : memref<128x128xf32, #tpu.memory_space<vmem>>) offsets(%dma_start3A_7 : memref<128xi32, #tpu.memory_space<vmem>>) semaphore(%arg11 : memref<!tpu.dma_semaphore, #tpu.memory_space<semaphore_mem>>)
    %dma_start3A_11 = arith.constant 1 : i32
    %dma_start3A_12 = arith.constant 0 : i32
    %dma_start3A_13 = tpu.memref_slice %arg5[%dma_start3A_11, %dma_start3A_12] : memref<200x128xi32, #tpu.memory_space<vmem>> -> memref<1x128xi32, #tpu.memory_space<vmem>>
    %dma_start3A_14 = tpu.memref_squeeze %dma_start3A_13 : memref<1x128xi32, #tpu.memory_space<vmem>> -> memref<128xi32, #tpu.memory_space<vmem>>
    %dma_start3A_15 = arith.constant 0 : i32
    %dma_start3A_16 = arith.constant 0 : i32
    %dma_start3A_17 = tpu.memref_slice %arg6[%dma_start3A_15, %dma_start3A_16] : memref<300x128xf32, #tpu.memory_space<vmem_shared>> -> memref<300x128xf32, #tpu.memory_space<vmem_shared>>
    tpu.enqueue_indirect_dma source(%dma_start3A_17 : memref<300x128xf32, #tpu.memory_space<vmem_shared>>) target(%arg8 : memref<128x128xf32, #tpu.memory_space<vmem>>) offsets(%dma_start3A_14 : memref<128xi32, #tpu.memory_space<vmem>>) semaphore(%arg12 : memref<!tpu.dma_semaphore, #tpu.memory_space<semaphore_mem>>)
    %dma_start3A_18 = arith.constant 2 : i32
    %dma_start3A_19 = arith.constant 0 : i32
    %dma_start3A_20 = tpu.memref_slice %arg5[%dma_start3A_18, %dma_start3A_19] : memref<200x128xi32, #tpu.memory_space<vmem>> -> memref<1x128xi32, #tpu.memory_space<vmem>>
    %dma_start3A_21 = tpu.memref_squeeze %dma_start3A_20 : memref<1x128xi32, #tpu.memory_space<vmem>> -> memref<128xi32, #tpu.memory_space<vmem>>
    %dma_start3A_22 = arith.constant 0 : i32
    %dma_start3A_23 = arith.constant 0 : i32
    %dma_start3A_24 = tpu.memref_slice %arg6[%dma_start3A_22, %dma_start3A_23] : memref<300x128xf32, #tpu.memory_space<vmem_shared>> -> memref<300x128xf32, #tpu.memory_space<vmem_shared>>
    tpu.enqueue_indirect_dma source(%dma_start3A_24 : memref<300x128xf32, #tpu.memory_space<vmem_shared>>) target(%arg9 : memref<128x128xf32, #tpu.memory_space<vmem>>) offsets(%dma_start3A_21 : memref<128xi32, #tpu.memory_space<vmem>>) semaphore(%arg13 : memref<!tpu.dma_semaphore, #tpu.memory_space<semaphore_mem>>)
    %dma_start3A_25 = arith.constant 3 : i32
    %dma_start3A_26 = arith.constant 0 : i32
    %dma_start3A_27 = tpu.memref_slice %arg5[%dma_start3A_25, %dma_start3A_26] : memref<200x128xi32, #tpu.memory_space<vmem>> -> memref<1x128xi32, #tpu.memory_space<vmem>>
    %dma_start3A_28 = tpu.memref_squeeze %dma_start3A_27 : memref<1x128xi32, #tpu.memory_space<vmem>> -> memref<128xi32, #tpu.memory_space<vmem>>
    %dma_start3A_29 = arith.constant 0 : i32
    %dma_start3A_30 = arith.constant 0 : i32
    %dma_start3A_31 = tpu.memref_slice %arg6[%dma_start3A_29, %dma_start3A_30] : memref<300x128xf32, #tpu.memory_space<vmem_shared>> -> memref<300x128xf32, #tpu.memory_space<vmem_shared>>
    tpu.enqueue_indirect_dma source(%dma_start3A_31 : memref<300x128xf32, #tpu.memory_space<vmem_shared>>) target(%arg10 : memref<128x128xf32, #tpu.memory_space<vmem>>) offsets(%dma_start3A_28 : memref<128xi32, #tpu.memory_space<vmem>>) semaphore(%arg14 : memref<!tpu.dma_semaphore, #tpu.memory_space<semaphore_mem>>)
    %scan3A = arith.constant 0 : i32
    %scan3A_32 = arith.constant 0 : i32
    %scan3A_33 = arith.constant 49 : i32
    %scan3A_34 = arith.addi %scan3A_32, %scan3A_33 : i32
    %scan3A_35 = arith.constant 1 : i32
    scf.for %scan3A_112 = %scan3A_32 to %scan3A_34 step %scan3A_35  : i32 {
      %mul3A_113 = arith.constant 4 : i32
      %mul3A_114 = arith.muli %scan3A_112, %mul3A_113 : i32
      %add3A_115 = arith.constant 0 : i32
      %add3A_116 = arith.addi %mul3A_114, %add3A_115 : i32
      %dma_wait3A_117 = arith.constant 0 : i32
      %dma_wait3A_118 = tpu.memref_slice %arg5[%add3A_116, %dma_wait3A_117] : memref<200x128xi32, #tpu.memory_space<vmem>> -> memref<1x128xi32, #tpu.memory_space<vmem>>
      %dma_wait3A_119 = tpu.memref_squeeze %dma_wait3A_118 : memref<1x128xi32, #tpu.memory_space<vmem>> -> memref<128xi32, #tpu.memory_space<vmem>>
      %dma_wait3A_120 = arith.constant 0 : i32
      %dma_wait3A_121 = arith.constant 0 : i32
      %dma_wait3A_122 = tpu.memref_slice %arg6[%dma_wait3A_120, %dma_wait3A_121] : memref<300x128xf32, #tpu.memory_space<vmem_shared>> -> memref<300x128xf32, #tpu.memory_space<vmem_shared>>
      tpu.wait_indirect_dma semaphore(%arg11 : memref<!tpu.dma_semaphore, #tpu.memory_space<semaphore_mem>>) src(%dma_wait3A_122 : memref<300x128xf32, #tpu.memory_space<vmem_shared>>) dst(%arg7 : memref<128x128xf32, #tpu.memory_space<vmem>>)
      %add3A_123 = arith.constant 0 : i32
      %add3A_124 = arith.addi %mul3A_114, %add3A_123 : i32
      %mul3A_125 = arith.constant 128 : i32
      %mul3A_126 = arith.muli %add3A_124, %mul3A_125 : i32
      %add3A_127 = arith.addi %mul3A_2, %mul3A_126 : i32
      %dma_start3A_128 = arith.constant 0 : i32
      %dma_start3A_129 = tpu.memref_slice %arg4[%add3A_127, %dma_start3A_128] : memref<819200x128xf32, #tpu.memory_space<hbm>> -> memref<128x128xf32, #tpu.memory_space<hbm>>
      %dma_start3A_130 = arith.constant 0 : i32
      %dma_start3A_131 = tpu.memref_slice %arg4[%add3A_127, %dma_start3A_130] : memref<819200x128xf32, #tpu.memory_space<hbm>> -> memref<128x128xf32, #tpu.memory_space<hbm>>
      tpu.enqueue_dma source(%arg7 : memref<128x128xf32, #tpu.memory_space<vmem>>) target(%dma_start3A_131 : memref<128x128xf32, #tpu.memory_space<hbm>>) target_semaphore(%arg15 : memref<!tpu.dma_semaphore, #tpu.memory_space<semaphore_mem>>)
      %add3A_132 = arith.constant 1 : i32
      %add3A_133 = arith.addi %mul3A_114, %add3A_132 : i32
      %dma_wait3A_134 = arith.constant 0 : i32
      %dma_wait3A_135 = tpu.memref_slice %arg5[%add3A_133, %dma_wait3A_134] : memref<200x128xi32, #tpu.memory_space<vmem>> -> memref<1x128xi32, #tpu.memory_space<vmem>>
      %dma_wait3A_136 = tpu.memref_squeeze %dma_wait3A_135 : memref<1x128xi32, #tpu.memory_space<vmem>> -> memref<128xi32, #tpu.memory_space<vmem>>
      %dma_wait3A_137 = arith.constant 0 : i32
      %dma_wait3A_138 = arith.constant 0 : i32
      %dma_wait3A_139 = tpu.memref_slice %arg6[%dma_wait3A_137, %dma_wait3A_138] : memref<300x128xf32, #tpu.memory_space<vmem_shared>> -> memref<300x128xf32, #tpu.memory_space<vmem_shared>>
      tpu.wait_indirect_dma semaphore(%arg12 : memref<!tpu.dma_semaphore, #tpu.memory_space<semaphore_mem>>) src(%dma_wait3A_139 : memref<300x128xf32, #tpu.memory_space<vmem_shared>>) dst(%arg8 : memref<128x128xf32, #tpu.memory_space<vmem>>)
      %add3A_140 = arith.constant 1 : i32
      %add3A_141 = arith.addi %mul3A_114, %add3A_140 : i32
      %mul3A_142 = arith.constant 128 : i32
      %mul3A_143 = arith.muli %add3A_141, %mul3A_142 : i32
      %add3A_144 = arith.addi %mul3A_2, %mul3A_143 : i32
      %dma_start3A_145 = arith.constant 0 : i32
      %dma_start3A_146 = tpu.memref_slice %arg4[%add3A_144, %dma_start3A_145] : memref<819200x128xf32, #tpu.memory_space<hbm>> -> memref<128x128xf32, #tpu.memory_space<hbm>>
      %dma_start3A_147 = arith.constant 0 : i32
      %dma_start3A_148 = tpu.memref_slice %arg4[%add3A_144, %dma_start3A_147] : memref<819200x128xf32, #tpu.memory_space<hbm>> -> memref<128x128xf32, #tpu.memory_space<hbm>>
      tpu.enqueue_dma source(%arg8 : memref<128x128xf32, #tpu.memory_space<vmem>>) target(%dma_start3A_148 : memref<128x128xf32, #tpu.memory_space<hbm>>) target_semaphore(%arg16 : memref<!tpu.dma_semaphore, #tpu.memory_space<semaphore_mem>>)
      %add3A_149 = arith.constant 2 : i32
      %add3A_150 = arith.addi %mul3A_114, %add3A_149 : i32
      %dma_wait3A_151 = arith.constant 0 : i32
      %dma_wait3A_152 = tpu.memref_slice %arg5[%add3A_150, %dma_wait3A_151] : memref<200x128xi32, #tpu.memory_space<vmem>> -> memref<1x128xi32, #tpu.memory_space<vmem>>
      %dma_wait3A_153 = tpu.memref_squeeze %dma_wait3A_152 : memref<1x128xi32, #tpu.memory_space<vmem>> -> memref<128xi32, #tpu.memory_space<vmem>>
      %dma_wait3A_154 = arith.constant 0 : i32
      %dma_wait3A_155 = arith.constant 0 : i32
      %dma_wait3A_156 = tpu.memref_slice %arg6[%dma_wait3A_154, %dma_wait3A_155] : memref<300x128xf32, #tpu.memory_space<vmem_shared>> -> memref<300x128xf32, #tpu.memory_space<vmem_shared>>
      tpu.wait_indirect_dma semaphore(%arg13 : memref<!tpu.dma_semaphore, #tpu.memory_space<semaphore_mem>>) src(%dma_wait3A_156 : memref<300x128xf32, #tpu.memory_space<vmem_shared>>) dst(%arg9 : memref<128x128xf32, #tpu.memory_space<vmem>>)
      %add3A_157 = arith.constant 2 : i32
      %add3A_158 = arith.addi %mul3A_114, %add3A_157 : i32
      %mul3A_159 = arith.constant 128 : i32
      %mul3A_160 = arith.muli %add3A_158, %mul3A_159 : i32
      %add3A_161 = arith.addi %mul3A_2, %mul3A_160 : i32
      %dma_start3A_162 = arith.constant 0 : i32
      %dma_start3A_163 = tpu.memref_slice %arg4[%add3A_161, %dma_start3A_162] : memref<819200x128xf32, #tpu.memory_space<hbm>> -> memref<128x128xf32, #tpu.memory_space<hbm>>
      %dma_start3A_164 = arith.constant 0 : i32
      %dma_start3A_165 = tpu.memref_slice %arg4[%add3A_161, %dma_start3A_164] : memref<819200x128xf32, #tpu.memory_space<hbm>> -> memref<128x128xf32, #tpu.memory_space<hbm>>
      tpu.enqueue_dma source(%arg9 : memref<128x128xf32, #tpu.memory_space<vmem>>) target(%dma_start3A_165 : memref<128x128xf32, #tpu.memory_space<hbm>>) target_semaphore(%arg17 : memref<!tpu.dma_semaphore, #tpu.memory_space<semaphore_mem>>)
      %add3A_166 = arith.constant 3 : i32
      %add3A_167 = arith.addi %mul3A_114, %add3A_166 : i32
      %dma_wait3A_168 = arith.constant 0 : i32
      %dma_wait3A_169 = tpu.memref_slice %arg5[%add3A_167, %dma_wait3A_168] : memref<200x128xi32, #tpu.memory_space<vmem>> -> memref<1x128xi32, #tpu.memory_space<vmem>>
      %dma_wait3A_170 = tpu.memref_squeeze %dma_wait3A_169 : memref<1x128xi32, #tpu.memory_space<vmem>> -> memref<128xi32, #tpu.memory_space<vmem>>
      %dma_wait3A_171 = arith.constant 0 : i32
      %dma_wait3A_172 = arith.constant 0 : i32
      %dma_wait3A_173 = tpu.memref_slice %arg6[%dma_wait3A_171, %dma_wait3A_172] : memref<300x128xf32, #tpu.memory_space<vmem_shared>> -> memref<300x128xf32, #tpu.memory_space<vmem_shared>>
      tpu.wait_indirect_dma semaphore(%arg14 : memref<!tpu.dma_semaphore, #tpu.memory_space<semaphore_mem>>) src(%dma_wait3A_173 : memref<300x128xf32, #tpu.memory_space<vmem_shared>>) dst(%arg10 : memref<128x128xf32, #tpu.memory_space<vmem>>)
      %add3A_174 = arith.constant 3 : i32
      %add3A_175 = arith.addi %mul3A_114, %add3A_174 : i32
      %mul3A_176 = arith.constant 128 : i32
      %mul3A_177 = arith.muli %add3A_175, %mul3A_176 : i32
      %add3A_178 = arith.addi %mul3A_2, %mul3A_177 : i32
      %dma_start3A_179 = arith.constant 0 : i32
      %dma_start3A_180 = tpu.memref_slice %arg4[%add3A_178, %dma_start3A_179] : memref<819200x128xf32, #tpu.memory_space<hbm>> -> memref<128x128xf32, #tpu.memory_space<hbm>>
      %dma_start3A_181 = arith.constant 0 : i32
      %dma_start3A_182 = tpu.memref_slice %arg4[%add3A_178, %dma_start3A_181] : memref<819200x128xf32, #tpu.memory_space<hbm>> -> memref<128x128xf32, #tpu.memory_space<hbm>>
      tpu.enqueue_dma source(%arg10 : memref<128x128xf32, #tpu.memory_space<vmem>>) target(%dma_start3A_182 : memref<128x128xf32, #tpu.memory_space<hbm>>) target_semaphore(%arg18 : memref<!tpu.dma_semaphore, #tpu.memory_space<semaphore_mem>>)
      %add3A_183 = arith.constant 0 : i32
      %add3A_184 = arith.addi %mul3A_114, %add3A_183 : i32
      %mul3A_185 = arith.constant 128 : i32
      %mul3A_186 = arith.muli %add3A_184, %mul3A_185 : i32
      %add3A_187 = arith.addi %mul3A_2, %mul3A_186 : i32
      %dma_wait3A_188 = arith.constant 0 : i32
      %dma_wait3A_189 = tpu.memref_slice %arg4[%add3A_187, %dma_wait3A_188] : memref<819200x128xf32, #tpu.memory_space<hbm>> -> memref<128x128xf32, #tpu.memory_space<hbm>>
      %dma_wait3A_190 = arith.constant 0 : i32
      %dma_wait3A_191 = tpu.memref_slice %arg4[%add3A_187, %dma_wait3A_190] : memref<819200x128xf32, #tpu.memory_space<hbm>> -> memref<128x128xf32, #tpu.memory_space<hbm>>
      tpu.wait_dma2 semaphore(%arg15 : memref<!tpu.dma_semaphore, #tpu.memory_space<semaphore_mem>>) src(%arg7 : memref<128x128xf32, #tpu.memory_space<vmem>>) dst(%dma_wait3A_191 : memref<128x128xf32, #tpu.memory_space<hbm>>)
      %add3A_192 = arith.constant 4 : i32
      %add3A_193 = arith.addi %mul3A_114, %add3A_192 : i32
      %add3A_194 = arith.constant 0 : i32
      %add3A_195 = arith.addi %add3A_193, %add3A_194 : i32
      %dma_start3A_196 = arith.constant 0 : i32
      %dma_start3A_197 = tpu.memref_slice %arg5[%add3A_195, %dma_start3A_196] : memref<200x128xi32, #tpu.memory_space<vmem>> -> memref<1x128xi32, #tpu.memory_space<vmem>>
      %dma_start3A_198 = tpu.memref_squeeze %dma_start3A_197 : memref<1x128xi32, #tpu.memory_space<vmem>> -> memref<128xi32, #tpu.memory_space<vmem>>
      %dma_start3A_199 = arith.constant 0 : i32
      %dma_start3A_200 = arith.constant 0 : i32
      %dma_start3A_201 = tpu.memref_slice %arg6[%dma_start3A_199, %dma_start3A_200] : memref<300x128xf32, #tpu.memory_space<vmem_shared>> -> memref<300x128xf32, #tpu.memory_space<vmem_shared>>
      tpu.enqueue_indirect_dma source(%dma_start3A_201 : memref<300x128xf32, #tpu.memory_space<vmem_shared>>) target(%arg7 : memref<128x128xf32, #tpu.memory_space<vmem>>) offsets(%dma_start3A_198 : memref<128xi32, #tpu.memory_space<vmem>>) semaphore(%arg11 : memref<!tpu.dma_semaphore, #tpu.memory_space<semaphore_mem>>)
      %add3A_202 = arith.constant 1 : i32
      %add3A_203 = arith.addi %mul3A_114, %add3A_202 : i32
      %mul3A_204 = arith.constant 128 : i32
      %mul3A_205 = arith.muli %add3A_203, %mul3A_204 : i32
      %add3A_206 = arith.addi %mul3A_2, %mul3A_205 : i32
      %dma_wait3A_207 = arith.constant 0 : i32
      %dma_wait3A_208 = tpu.memref_slice %arg4[%add3A_206, %dma_wait3A_207] : memref<819200x128xf32, #tpu.memory_space<hbm>> -> memref<128x128xf32, #tpu.memory_space<hbm>>
      %dma_wait3A_209 = arith.constant 0 : i32
      %dma_wait3A_210 = tpu.memref_slice %arg4[%add3A_206, %dma_wait3A_209] : memref<819200x128xf32, #tpu.memory_space<hbm>> -> memref<128x128xf32, #tpu.memory_space<hbm>>
      tpu.wait_dma2 semaphore(%arg16 : memref<!tpu.dma_semaphore, #tpu.memory_space<semaphore_mem>>) src(%arg8 : memref<128x128xf32, #tpu.memory_space<vmem>>) dst(%dma_wait3A_210 : memref<128x128xf32, #tpu.memory_space<hbm>>)
      %add3A_211 = arith.constant 4 : i32
      %add3A_212 = arith.addi %mul3A_114, %add3A_211 : i32
      %add3A_213 = arith.constant 1 : i32
      %add3A_214 = arith.addi %add3A_212, %add3A_213 : i32
      %dma_start3A_215 = arith.constant 0 : i32
      %dma_start3A_216 = tpu.memref_slice %arg5[%add3A_214, %dma_start3A_215] : memref<200x128xi32, #tpu.memory_space<vmem>> -> memref<1x128xi32, #tpu.memory_space<vmem>>
      %dma_start3A_217 = tpu.memref_squeeze %dma_start3A_216 : memref<1x128xi32, #tpu.memory_space<vmem>> -> memref<128xi32, #tpu.memory_space<vmem>>
      %dma_start3A_218 = arith.constant 0 : i32
      %dma_start3A_219 = arith.constant 0 : i32
      %dma_start3A_220 = tpu.memref_slice %arg6[%dma_start3A_218, %dma_start3A_219] : memref<300x128xf32, #tpu.memory_space<vmem_shared>> -> memref<300x128xf32, #tpu.memory_space<vmem_shared>>
      tpu.enqueue_indirect_dma source(%dma_start3A_220 : memref<300x128xf32, #tpu.memory_space<vmem_shared>>) target(%arg8 : memref<128x128xf32, #tpu.memory_space<vmem>>) offsets(%dma_start3A_217 : memref<128xi32, #tpu.memory_space<vmem>>) semaphore(%arg12 : memref<!tpu.dma_semaphore, #tpu.memory_space<semaphore_mem>>)
      %add3A_221 = arith.constant 2 : i32
      %add3A_222 = arith.addi %mul3A_114, %add3A_221 : i32
      %mul3A_223 = arith.constant 128 : i32
      %mul3A_224 = arith.muli %add3A_222, %mul3A_223 : i32
      %add3A_225 = arith.addi %mul3A_2, %mul3A_224 : i32
      %dma_wait3A_226 = arith.constant 0 : i32
      %dma_wait3A_227 = tpu.memref_slice %arg4[%add3A_225, %dma_wait3A_226] : memref<819200x128xf32, #tpu.memory_space<hbm>> -> memref<128x128xf32, #tpu.memory_space<hbm>>
      %dma_wait3A_228 = arith.constant 0 : i32
      %dma_wait3A_229 = tpu.memref_slice %arg4[%add3A_225, %dma_wait3A_228] : memref<819200x128xf32, #tpu.memory_space<hbm>> -> memref<128x128xf32, #tpu.memory_space<hbm>>
      tpu.wait_dma2 semaphore(%arg17 : memref<!tpu.dma_semaphore, #tpu.memory_space<semaphore_mem>>) src(%arg9 : memref<128x128xf32, #tpu.memory_space<vmem>>) dst(%dma_wait3A_229 : memref<128x128xf32, #tpu.memory_space<hbm>>)
      %add3A_230 = arith.constant 4 : i32
      %add3A_231 = arith.addi %mul3A_114, %add3A_230 : i32
      %add3A_232 = arith.constant 2 : i32
      %add3A_233 = arith.addi %add3A_231, %add3A_232 : i32
      %dma_start3A_234 = arith.constant 0 : i32
      %dma_start3A_235 = tpu.memref_slice %arg5[%add3A_233, %dma_start3A_234] : memref<200x128xi32, #tpu.memory_space<vmem>> -> memref<1x128xi32, #tpu.memory_space<vmem>>
      %dma_start3A_236 = tpu.memref_squeeze %dma_start3A_235 : memref<1x128xi32, #tpu.memory_space<vmem>> -> memref<128xi32, #tpu.memory_space<vmem>>
      %dma_start3A_237 = arith.constant 0 : i32
      %dma_start3A_238 = arith.constant 0 : i32
      %dma_start3A_239 = tpu.memref_slice %arg6[%dma_start3A_237, %dma_start3A_238] : memref<300x128xf32, #tpu.memory_space<vmem_shared>> -> memref<300x128xf32, #tpu.memory_space<vmem_shared>>
      tpu.enqueue_indirect_dma source(%dma_start3A_239 : memref<300x128xf32, #tpu.memory_space<vmem_shared>>) target(%arg9 : memref<128x128xf32, #tpu.memory_space<vmem>>) offsets(%dma_start3A_236 : memref<128xi32, #tpu.memory_space<vmem>>) semaphore(%arg13 : memref<!tpu.dma_semaphore, #tpu.memory_space<semaphore_mem>>)
      %add3A_240 = arith.constant 3 : i32
      %add3A_241 = arith.addi %mul3A_114, %add3A_240 : i32
      %mul3A_242 = arith.constant 128 : i32
      %mul3A_243 = arith.muli %add3A_241, %mul3A_242 : i32
      %add3A_244 = arith.addi %mul3A_2, %mul3A_243 : i32
      %dma_wait3A_245 = arith.constant 0 : i32
      %dma_wait3A_246 = tpu.memref_slice %arg4[%add3A_244, %dma_wait3A_245] : memref<819200x128xf32, #tpu.memory_space<hbm>> -> memref<128x128xf32, #tpu.memory_space<hbm>>
      %dma_wait3A_247 = arith.constant 0 : i32
      %dma_wait3A_248 = tpu.memref_slice %arg4[%add3A_244, %dma_wait3A_247] : memref<819200x128xf32, #tpu.memory_space<hbm>> -> memref<128x128xf32, #tpu.memory_space<hbm>>
      tpu.wait_dma2 semaphore(%arg18 : memref<!tpu.dma_semaphore, #tpu.memory_space<semaphore_mem>>) src(%arg10 : memref<128x128xf32, #tpu.memory_space<vmem>>) dst(%dma_wait3A_248 : memref<128x128xf32, #tpu.memory_space<hbm>>)
      %add3A_249 = arith.constant 4 : i32
      %add3A_250 = arith.addi %mul3A_114, %add3A_249 : i32
      %add3A_251 = arith.constant 3 : i32
      %add3A_252 = arith.addi %add3A_250, %add3A_251 : i32
      %dma_start3A_253 = arith.constant 0 : i32
      %dma_start3A_254 = tpu.memref_slice %arg5[%add3A_252, %dma_start3A_253] : memref<200x128xi32, #tpu.memory_space<vmem>> -> memref<1x128xi32, #tpu.memory_space<vmem>>
      %dma_start3A_255 = tpu.memref_squeeze %dma_start3A_254 : memref<1x128xi32, #tpu.memory_space<vmem>> -> memref<128xi32, #tpu.memory_space<vmem>>
      %dma_start3A_256 = arith.constant 0 : i32
      %dma_start3A_257 = arith.constant 0 : i32
      %dma_start3A_258 = tpu.memref_slice %arg6[%dma_start3A_256, %dma_start3A_257] : memref<300x128xf32, #tpu.memory_space<vmem_shared>> -> memref<300x128xf32, #tpu.memory_space<vmem_shared>>
      tpu.enqueue_indirect_dma source(%dma_start3A_258 : memref<300x128xf32, #tpu.memory_space<vmem_shared>>) target(%arg10 : memref<128x128xf32, #tpu.memory_space<vmem>>) offsets(%dma_start3A_255 : memref<128xi32, #tpu.memory_space<vmem>>) semaphore(%arg14 : memref<!tpu.dma_semaphore, #tpu.memory_space<semaphore_mem>>)
    }
    %scan3A_36 = arith.constant 49 : i32
    %dma_wait3A = arith.constant 196 : i32
    %dma_wait3A_37 = arith.constant 0 : i32
    %dma_wait3A_38 = tpu.memref_slice %arg5[%dma_wait3A, %dma_wait3A_37] : memref<200x128xi32, #tpu.memory_space<vmem>> -> memref<1x128xi32, #tpu.memory_space<vmem>>
    %dma_wait3A_39 = tpu.memref_squeeze %dma_wait3A_38 : memref<1x128xi32, #tpu.memory_space<vmem>> -> memref<128xi32, #tpu.memory_space<vmem>>
    %dma_wait3A_40 = arith.constant 0 : i32
    %dma_wait3A_41 = arith.constant 0 : i32
    %dma_wait3A_42 = tpu.memref_slice %arg6[%dma_wait3A_40, %dma_wait3A_41] : memref<300x128xf32, #tpu.memory_space<vmem_shared>> -> memref<300x128xf32, #tpu.memory_space<vmem_shared>>
    tpu.wait_indirect_dma semaphore(%arg11 : memref<!tpu.dma_semaphore, #tpu.memory_space<semaphore_mem>>) src(%dma_wait3A_42 : memref<300x128xf32, #tpu.memory_space<vmem_shared>>) dst(%arg7 : memref<128x128xf32, #tpu.memory_space<vmem>>)
    %add3A_43 = arith.constant 25088 : i32
    %add3A_44 = arith.addi %mul3A_2, %add3A_43 : i32
    %dma_start3A_45 = arith.constant 0 : i32
    %dma_start3A_46 = tpu.memref_slice %arg4[%add3A_44, %dma_start3A_45] : memref<819200x128xf32, #tpu.memory_space<hbm>> -> memref<128x128xf32, #tpu.memory_space<hbm>>
    %dma_start3A_47 = arith.constant 0 : i32
    %dma_start3A_48 = tpu.memref_slice %arg4[%add3A_44, %dma_start3A_47] : memref<819200x128xf32, #tpu.memory_space<hbm>> -> memref<128x128xf32, #tpu.memory_space<hbm>>
    tpu.enqueue_dma source(%arg7 : memref<128x128xf32, #tpu.memory_space<vmem>>) target(%dma_start3A_48 : memref<128x128xf32, #tpu.memory_space<hbm>>) target_semaphore(%arg15 : memref<!tpu.dma_semaphore, #tpu.memory_space<semaphore_mem>>)
    %dma_wait3A_49 = arith.constant 197 : i32
    %dma_wait3A_50 = arith.constant 0 : i32
    %dma_wait3A_51 = tpu.memref_slice %arg5[%dma_wait3A_49, %dma_wait3A_50] : memref<200x128xi32, #tpu.memory_space<vmem>> -> memref<1x128xi32, #tpu.memory_space<vmem>>
    %dma_wait3A_52 = tpu.memref_squeeze %dma_wait3A_51 : memref<1x128xi32, #tpu.memory_space<vmem>> -> memref<128xi32, #tpu.memory_space<vmem>>
    %dma_wait3A_53 = arith.constant 0 : i32
    %dma_wait3A_54 = arith.constant 0 : i32
    %dma_wait3A_55 = tpu.memref_slice %arg6[%dma_wait3A_53, %dma_wait3A_54] : memref<300x128xf32, #tpu.memory_space<vmem_shared>> -> memref<300x128xf32, #tpu.memory_space<vmem_shared>>
    tpu.wait_indirect_dma semaphore(%arg12 : memref<!tpu.dma_semaphore, #tpu.memory_space<semaphore_mem>>) src(%dma_wait3A_55 : memref<300x128xf32, #tpu.memory_space<vmem_shared>>) dst(%arg8 : memref<128x128xf32, #tpu.memory_space<vmem>>)
    %add3A_56 = arith.constant 25216 : i32
    %add3A_57 = arith.addi %mul3A_2, %add3A_56 : i32
    %dma_start3A_58 = arith.constant 0 : i32
    %dma_start3A_59 = tpu.memref_slice %arg4[%add3A_57, %dma_start3A_58] : memref<819200x128xf32, #tpu.memory_space<hbm>> -> memref<128x128xf32, #tpu.memory_space<hbm>>
    %dma_start3A_60 = arith.constant 0 : i32
    %dma_start3A_61 = tpu.memref_slice %arg4[%add3A_57, %dma_start3A_60] : memref<819200x128xf32, #tpu.memory_space<hbm>> -> memref<128x128xf32, #tpu.memory_space<hbm>>
    tpu.enqueue_dma source(%arg8 : memref<128x128xf32, #tpu.memory_space<vmem>>) target(%dma_start3A_61 : memref<128x128xf32, #tpu.memory_space<hbm>>) target_semaphore(%arg16 : memref<!tpu.dma_semaphore, #tpu.memory_space<semaphore_mem>>)
    %dma_wait3A_62 = arith.constant 198 : i32
    %dma_wait3A_63 = arith.constant 0 : i32
    %dma_wait3A_64 = tpu.memref_slice %arg5[%dma_wait3A_62, %dma_wait3A_63] : memref<200x128xi32, #tpu.memory_space<vmem>> -> memref<1x128xi32, #tpu.memory_space<vmem>>
    %dma_wait3A_65 = tpu.memref_squeeze %dma_wait3A_64 : memref<1x128xi32, #tpu.memory_space<vmem>> -> memref<128xi32, #tpu.memory_space<vmem>>
    %dma_wait3A_66 = arith.constant 0 : i32
    %dma_wait3A_67 = arith.constant 0 : i32
    %dma_wait3A_68 = tpu.memref_slice %arg6[%dma_wait3A_66, %dma_wait3A_67] : memref<300x128xf32, #tpu.memory_space<vmem_shared>> -> memref<300x128xf32, #tpu.memory_space<vmem_shared>>
    tpu.wait_indirect_dma semaphore(%arg13 : memref<!tpu.dma_semaphore, #tpu.memory_space<semaphore_mem>>) src(%dma_wait3A_68 : memref<300x128xf32, #tpu.memory_space<vmem_shared>>) dst(%arg9 : memref<128x128xf32, #tpu.memory_space<vmem>>)
    %add3A_69 = arith.constant 25344 : i32
    %add3A_70 = arith.addi %mul3A_2, %add3A_69 : i32
    %dma_start3A_71 = arith.constant 0 : i32
    %dma_start3A_72 = tpu.memref_slice %arg4[%add3A_70, %dma_start3A_71] : memref<819200x128xf32, #tpu.memory_space<hbm>> -> memref<128x128xf32, #tpu.memory_space<hbm>>
    %dma_start3A_73 = arith.constant 0 : i32
    %dma_start3A_74 = tpu.memref_slice %arg4[%add3A_70, %dma_start3A_73] : memref<819200x128xf32, #tpu.memory_space<hbm>> -> memref<128x128xf32, #tpu.memory_space<hbm>>
    tpu.enqueue_dma source(%arg9 : memref<128x128xf32, #tpu.memory_space<vmem>>) target(%dma_start3A_74 : memref<128x128xf32, #tpu.memory_space<hbm>>) target_semaphore(%arg17 : memref<!tpu.dma_semaphore, #tpu.memory_space<semaphore_mem>>)
    %dma_wait3A_75 = arith.constant 199 : i32
    %dma_wait3A_76 = arith.constant 0 : i32
    %dma_wait3A_77 = tpu.memref_slice %arg5[%dma_wait3A_75, %dma_wait3A_76] : memref<200x128xi32, #tpu.memory_space<vmem>> -> memref<1x128xi32, #tpu.memory_space<vmem>>
    %dma_wait3A_78 = tpu.memref_squeeze %dma_wait3A_77 : memref<1x128xi32, #tpu.memory_space<vmem>> -> memref<128xi32, #tpu.memory_space<vmem>>
    %dma_wait3A_79 = arith.constant 0 : i32
    %dma_wait3A_80 = arith.constant 0 : i32
    %dma_wait3A_81 = tpu.memref_slice %arg6[%dma_wait3A_79, %dma_wait3A_80] : memref<300x128xf32, #tpu.memory_space<vmem_shared>> -> memref<300x128xf32, #tpu.memory_space<vmem_shared>>
    tpu.wait_indirect_dma semaphore(%arg14 : memref<!tpu.dma_semaphore, #tpu.memory_space<semaphore_mem>>) src(%dma_wait3A_81 : memref<300x128xf32, #tpu.memory_space<vmem_shared>>) dst(%arg10 : memref<128x128xf32, #tpu.memory_space<vmem>>)
    %add3A_82 = arith.constant 25472 : i32
    %add3A_83 = arith.addi %mul3A_2, %add3A_82 : i32
    %dma_start3A_84 = arith.constant 0 : i32
    %dma_start3A_85 = tpu.memref_slice %arg4[%add3A_83, %dma_start3A_84] : memref<819200x128xf32, #tpu.memory_space<hbm>> -> memref<128x128xf32, #tpu.memory_space<hbm>>
    %dma_start3A_86 = arith.constant 0 : i32
    %dma_start3A_87 = tpu.memref_slice %arg4[%add3A_83, %dma_start3A_86] : memref<819200x128xf32, #tpu.memory_space<hbm>> -> memref<128x128xf32, #tpu.memory_space<hbm>>
    tpu.enqueue_dma source(%arg10 : memref<128x128xf32, #tpu.memory_space<vmem>>) target(%dma_start3A_87 : memref<128x128xf32, #tpu.memory_space<hbm>>) target_semaphore(%arg18 : memref<!tpu.dma_semaphore, #tpu.memory_space<semaphore_mem>>)
    %add3A_88 = arith.constant 25088 : i32
    %add3A_89 = arith.addi %mul3A_2, %add3A_88 : i32
    %dma_wait3A_90 = arith.constant 0 : i32
    %dma_wait3A_91 = tpu.memref_slice %arg4[%add3A_89, %dma_wait3A_90] : memref<819200x128xf32, #tpu.memory_space<hbm>> -> memref<128x128xf32, #tpu.memory_space<hbm>>
    %dma_wait3A_92 = arith.constant 0 : i32
    %dma_wait3A_93 = tpu.memref_slice %arg4[%add3A_89, %dma_wait3A_92] : memref<819200x128xf32, #tpu.memory_space<hbm>> -> memref<128x128xf32, #tpu.memory_space<hbm>>
    tpu.wait_dma2 semaphore(%arg15 : memref<!tpu.dma_semaphore, #tpu.memory_space<semaphore_mem>>) src(%arg7 : memref<128x128xf32, #tpu.memory_space<vmem>>) dst(%dma_wait3A_93 : memref<128x128xf32, #tpu.memory_space<hbm>>)
    %add3A_94 = arith.constant 25216 : i32
    %add3A_95 = arith.addi %mul3A_2, %add3A_94 : i32
    %dma_wait3A_96 = arith.constant 0 : i32
    %dma_wait3A_97 = tpu.memref_slice %arg4[%add3A_95, %dma_wait3A_96] : memref<819200x128xf32, #tpu.memory_space<hbm>> -> memref<128x128xf32, #tpu.memory_space<hbm>>
    %dma_wait3A_98 = arith.constant 0 : i32
    %dma_wait3A_99 = tpu.memref_slice %arg4[%add3A_95, %dma_wait3A_98] : memref<819200x128xf32, #tpu.memory_space<hbm>> -> memref<128x128xf32, #tpu.memory_space<hbm>>
    tpu.wait_dma2 semaphore(%arg16 : memref<!tpu.dma_semaphore, #tpu.memory_space<semaphore_mem>>) src(%arg8 : memref<128x128xf32, #tpu.memory_space<vmem>>) dst(%dma_wait3A_99 : memref<128x128xf32, #tpu.memory_space<hbm>>)
    %add3A_100 = arith.constant 25344 : i32
    %add3A_101 = arith.addi %mul3A_2, %add3A_100 : i32
    %dma_wait3A_102 = arith.constant 0 : i32
    %dma_wait3A_103 = tpu.memref_slice %arg4[%add3A_101, %dma_wait3A_102] : memref<819200x128xf32, #tpu.memory_space<hbm>> -> memref<128x128xf32, #tpu.memory_space<hbm>>
    %dma_wait3A_104 = arith.constant 0 : i32
    %dma_wait3A_105 = tpu.memref_slice %arg4[%add3A_101, %dma_wait3A_104] : memref<819200x128xf32, #tpu.memory_space<hbm>> -> memref<128x128xf32, #tpu.memory_space<hbm>>
    tpu.wait_dma2 semaphore(%arg17 : memref<!tpu.dma_semaphore, #tpu.memory_space<semaphore_mem>>) src(%arg9 : memref<128x128xf32, #tpu.memory_space<vmem>>) dst(%dma_wait3A_105 : memref<128x128xf32, #tpu.memory_space<hbm>>)
    %add3A_106 = arith.constant 25472 : i32
    %add3A_107 = arith.addi %mul3A_2, %add3A_106 : i32
    %dma_wait3A_108 = arith.constant 0 : i32
    %dma_wait3A_109 = tpu.memref_slice %arg4[%add3A_107, %dma_wait3A_108] : memref<819200x128xf32, #tpu.memory_space<hbm>> -> memref<128x128xf32, #tpu.memory_space<hbm>>
    %dma_wait3A_110 = arith.constant 0 : i32
    %dma_wait3A_111 = tpu.memref_slice %arg4[%add3A_107, %dma_wait3A_110] : memref<819200x128xf32, #tpu.memory_space<hbm>> -> memref<128x128xf32, #tpu.memory_space<hbm>>
    tpu.wait_dma2 semaphore(%arg18 : memref<!tpu.dma_semaphore, #tpu.memory_space<semaphore_mem>>) src(%arg10 : memref<128x128xf32, #tpu.memory_space<vmem>>) dst(%dma_wait3A_111 : memref<128x128xf32, #tpu.memory_space<hbm>>)
    return
  }
}

</mosaic_0001>

<sc_bundles>
// kernel: kernel.3.cloned.1.call-start
scs
__scs_entry_jumppad:
0x0: {  	(pc) =	sbr.rel $0x88, $3  }
0x1: {  	(tag) =	ssettag $0x0;
	lr =	simm.s32 $0x1  }
0x2: {  	[smem:$0x3F9F] =	sst lr;
	_ =	strace $0xD0000000  }
0x3: {  	_ = 	snop  }
0x4: {  	_ = 	snop  }
0x5: {  	_ = 	snop  }
0x6: {  	_ = 	snop  }
0x7: {  	_ = 	snop  }
__scs_overlays_trampoline_lowered:
0x8: {  	[smem:$0x3FAE] =	sst s0  }
0x9: {  	[smem:$0x3FAF] =	sst s1  }
0xa: {  	[smem:$0x3FB0] =	sst s2  }
0xb: {  	[smem:$0x3FB1] =	sst s3  }
0xc: {  	[smem:$0x3FB2] =	sst s4  }
0xd: {  	[smem:$0x3FB3] =	sst s5  }
0xe: {  	[smem:$0x3FB4] =	sst s6  }
0xf: {  	[smem:$0x3FB5] =	sst s7  }
0x10: {  	[smem:$0x3FB6] =	sst s8  }
0x11: {  	[smem:$0x3FB7] =	sst s9;
	s0 =	simm.s32 @!p0 $0x0  }
0x12: {  	s1 =	sld [smem:$0x3F9D];
	s0 =	simm.s32 @p0 $0x1  }
0x13: {  	[smem:$0x3FB8] =	sst s0;
	s0 =	simm.s32 @!p1 $0x0  }
0x14: {  	s2 =	sld [smem:$0x3F9C];
	s0 =	simm.s32 @p1 $0x1  }
0x15: {  	[smem:$0x3FB9] =	sst s0;
	s0 =	simm.s32 @!p2 $0x0  }
0x16: {  	s3 =	sld [smem:$0x3FDB];
	s0 =	simm.s32 @p2 $0x1  }
0x17: {  	s4 =	simm.s32 $0x1BF5;
	[smem:$0x3FBB] =	sst s0  }
0x18: {  	s0 =	sld [smem:$0x3F9E];
	_ =	swait.ge [sflag:s4], $0x0  }
0x19: {  	s7 =	sld [smem:$0x3F9F]  }
0x1a: {  	s8 =	sadd.s32 $0xFFFFE003, lr  }
0x1b: {  	s9 =	sadd.s32 $0xFFFFFEF7, lr;
	s5 =	simm.s32 $0xFFFFFFFF;
	p2 =	slt.u32 s8, $0xFFFFF086  }
0x1c: {  	p1 =	slt.u32 s9, $0xF7A;
	s5 =	simm.s32 @!p2 $0x0  }
0x1d: {  	s5 =	simm.s32 @p1 $0x1;
	p0 =	seq.s32 s7, s2  }
0x1e: {  	s7 =	smul.u32 @!p0 $0xF7A, s2;
	p2 =	seq.s32 @!p0 s5, $0x0  }
0x1f: {  	s9 =	smul.u32 $0xF7A, s1;
	s8 =	simm.s32 @!p0 $0x1BF5;
	p2 =	por !p2, p0  }
0x20: {  	[sflag:s8] =	ssyncset.s32 @!p0 $0xFFFFF086;
	s6 =	sadd.s32 @!p0 s3, s7;
	s7 =	simm.s32 @!p0 $0x108  }
0x21: {  	s3 =	sadd.s32 s3, s9;
	s6 =	sadd.s32 @!p0 $0x88, s6;
	s7 =	simm.s32 @p2 $0x1082  }
0x22: {  	[simem:s7], [sflag:s8] =	dma.local @!p0 [hbm:s6], $0xF7A  }
0x23: {  	s9 =	sor.u32 $0xD0000000, s2;
	s6 =	simm.s32 $0x108;
	_ =	swait.ge @!p0 [sflag:s8], $0x0  }
0x24: {  	s3 =	sadd.s32 $0x88, s3;
	s6 =	simm.s32 @!p1 $0x1082;
	[sflag:s4] =	ssyncset.s32 $0xFFFFF086  }
0x25: {  	[simem:s6], [sflag:s4] =	dma.local [hbm:s3], $0xF7A  }
0x26: {  	[smem:$0x3F9F] =	sst s1;
	(tag) =	ssettag s2;
	_ =	strace s9  }
0x27: {  	s1 =	sld [smem:$0x3FAF]  }
0x28: {  	s2 =	sld [smem:$0x3FB0]  }
0x29: {  	s4 =	sld [smem:$0x3FB2]  }
0x2a: {  	p0 =	seq.s32 s5, $0x0;
	s5 =	sld [smem:$0x3FB3]  }
0x2b: {  	s6 =	sld [smem:$0x3FB4]  }
0x2c: {  	s7 =	sld [smem:$0x3FB5]  }
0x2d: {  	s3 =	simm.s32 $0x108;
	s8 =	sld [smem:$0x3FB6]  }
0x2e: {  	s3 =	simm.s32 @!p0 $0x1082;
	s9 =	sld [smem:$0x3FB7]  }
0x2f: {  	lr =	sadd.s32 s0, s3;
	s0 =	sld [smem:$0x3FAE]  }
0x30: {  	s3 =	sld [smem:$0x3FB1]  }
0x31: {  	[smem:$0x3FBA] =	sst s10  }
0x32: {  	s10 =	sld [smem:$0x3FB8];
	_ =	sdelay $0x3  }
0x33: {  	p0 =	seq.s32 s10, $0x1;
	s10 =	sld [smem:$0x3FBA];
	_ =	sdelay $0x3  }
0x34: {  	[smem:$0x3FBA] =	sst s10  }
0x35: {  	s10 =	sld [smem:$0x3FB9];
	_ =	sdelay $0x3  }
0x36: {  	p1 =	seq.s32 s10, $0x1;
	s10 =	sld [smem:$0x3FBA];
	_ =	sdelay $0x3  }
0x37: {  	[smem:$0x3FBA] =	sst s10  }
0x38: {  	s10 =	sld [smem:$0x3FBB]  }
0x39: {  	_ = 	snop;
	(pc) =	sbr.ind lr, $3  }
0x3a: {  	_ = 	snop  }
0x3b: {  	_ = 	snop  }
0x3c: {  	p2 =	seq.s32 s10, $0x1;
	s10 =	sld [smem:$0x3FBA]  }
0x3d: {  	_ =	shalt  }
0x3e: {  	_ =	shalt  }
0x3f: {  	_ =	shalt  }
0x40: {  	_ =	shalt  }
0x41: {  	_ =	shalt  }
0x42: {  	_ =	shalt  }
0x43: {  	_ =	shalt  }
0x44: {  	_ =	shalt  }
0x45: {  	_ =	shalt  }
0x46: {  	_ =	shalt  }
0x47: {  	_ =	shalt  }
0x48: {  	_ =	shalt  }
0x49: {  	_ =	shalt  }
0x4a: {  	_ =	shalt  }
0x4b: {  	_ =	shalt  }
0x4c: {  	_ =	shalt  }
0x4d: {  	_ =	shalt  }
0x4e: {  	_ =	shalt  }
0x4f: {  	_ =	shalt  }
0x50: {  	_ =	shalt  }
0x51: {  	_ =	shalt  }
0x52: {  	_ =	shalt  }
0x53: {  	_ =	shalt  }
0x54: {  	_ =	shalt  }
0x55: {  	_ =	shalt  }
0x56: {  	_ =	shalt  }
0x57: {  	_ =	shalt  }
0x58: {  	_ =	shalt  }
0x59: {  	_ =	shalt  }
0x5a: {  	_ =	shalt  }
0x5b: {  	_ =	shalt  }
0x5c: {  	_ =	shalt  }
0x5d: {  	_ =	shalt  }
0x5e: {  	_ =	shalt  }
0x5f: {  	_ =	shalt  }
0x60: {  	_ =	shalt  }
0x61: {  	_ =	shalt  }
0x62: {  	_ =	shalt  }
0x63: {  	_ =	shalt  }
0x64: {  	_ =	shalt  }
0x65: {  	_ =	shalt  }
0x66: {  	_ =	shalt  }
0x67: {  	_ =	shalt  }
0x68: {  	_ =	shalt  }
0x69: {  	_ =	shalt  }
0x6a: {  	_ =	shalt  }
0x6b: {  	_ =	shalt  }
0x6c: {  	_ =	shalt  }
0x6d: {  	_ =	shalt  }
0x6e: {  	_ =	shalt  }
0x6f: {  	_ =	shalt  }
0x70: {  	_ =	shalt  }
0x71: {  	_ =	shalt  }
0x72: {  	_ =	shalt  }
0x73: {  	_ =	shalt  }
0x74: {  	_ =	shalt  }
0x75: {  	_ =	shalt  }
0x76: {  	_ =	shalt  }
0x77: {  	_ =	shalt  }
0x78: {  	_ =	shalt  }
0x79: {  	_ =	shalt  }
0x7a: {  	_ =	shalt  }
0x7b: {  	_ =	shalt  }
0x7c: {  	_ =	shalt  }
0x7d: {  	_ =	shalt  }
0x7e: {  	_ =	shalt  }
0x7f: {  	_ =	shalt  }
0x80: {  	_ =	shalt  }
0x81: {  	_ =	shalt  }
0x82: {  	_ =	shalt  }
0x83: {  	_ =	shalt  }
0x84: {  	_ =	shalt  }
0x85: {  	_ =	shalt  }
0x86: {  	_ =	shalt  }
0x87: {  	_ =	shalt  }
.Lfunc_end0:
.L_simem_size_0:
called_computation_lowered:
.L_overlay_start_0:
0x88: {  	s2 =	sld [smem:$0x3FD9]  }
0x89: {  	s3 =	sld [smem:$0x3FFE];
	_ =	sdelay $0x1  }
0x8a: {  	s1 =	srdreg.scid  }
0x8b: {  	s0 =	sand.u32 $0x1, s1  }
0x8c: {  	s18 =	sshll.u32 s0, $0xA;
	s2 =	sadd.s32 s3, s2  }
0x8d: {  	s2 =	sadd.s32 s2, s18  }
0x8e: {  	[smem:$0x3FC6] =	sst s2  }
0x8f: {  	_ = 	snop  }
0x90: {  	s2 =	sld [smem:$0x3FC9]  }
0x91: {  	s19 =	sld [smem:$0x3FC8]  }
0x92: {  	s4 =	sld [smem:$0x3FD0];
	(tm) =	ssettm $0x1  }
0x93: {  	s5 =	sld [smem:$0x3FFB];
	_ =	sdelay $0x3  }
0x94: {  	_ =	strace s5  }
0x95: {  	s5 =	sld [smem:$0x3FFC];
	_ =	sdelay $0x3  }
0x96: {  	_ =	strace s5  }
0x97: {  	s5 =	sld [smem:$0x3FFD];
	_ =	sdelay $0x3  }
0x98: {  	_ =	strace s5  }
0x99: {  	_ =	strace $0x8FFFFFFF  }
0x9a: {  	s20 =	sld [smem:$0x3FDB];
	_ =	sdelay $0x1  }
0x9b: {  	s6 =	simm.s32 $_scs_section_size  }
0x9c: {  	s7 =	simm.s32 $_size__tile_overlayer_lowered;
	s8 =	simm.s32 $_tile_overlayer_lowered  }
0x9d: {  	s23 =	simm.s32 $0x1BFF;
	s22 =	sshll.u32 s8, $0x1;
	s5 =	sadd.s32 s6, s20  }
0x9e: {  	s9 =	simm.s32 $0x0;
	s21 =	sshll.u32 s7, $0x1;
	s7 =	sadd.s32 s22, s5  }
0x9f: {  	[timem:s9], [sflag:s23] =	dma.local [hbm:s7], s21  }
0xa0: {  	_ =	swait.ge [sflag:s23], s21  }
0xa1: {  	s6 =	ssub.s32 $0x0, s21;
	[sflag:s23] =	ssyncset.done $0x0  }
0xa2: {  	[sflag:s23] =	ssyncadd.s32 s6;
	_ =	sdelay $0x1  }
0xa3: {  	s24 =	simm.s32 $0x1B8B  }
0xa4: {  	_ =	swait.ge [sflag:s24], $0x1  }
0xa5: {  	[sflag:s24] =	ssyncset.done $0x0  }
0xa6: {  	s25 =	simm.s32 $0x1B8E;
	[sflag:s24] =	ssyncadd.s32 $0xFFFFFFFF  }
0xa7: {  	s26 =	simm.s32 $execute0_lowered;
	[smem:$0x3FD2] =	sst s25  }
0xa8: {  	s6 =	sshll.u32 s26, $0x1;
	_ =	strace $0x80000046;
	[dreg:$0x1] =	wrdreg $0xFFFFFFFF  }
0xa9: {  	s28 =	simm.s32 $_size_execute0_lowered;
	s5 =	sadd.s32 s5, s6;
	[dreg:$0x0] =	wrdreg $0x0  }
0xaa: {  	s6 =	sshll.u32 s28, $0x1;
	[dreg:$0x2] =	wrdreg s5  }
0xab: {  	[dreg:$0x3] =	wrdreg s6  }
0xac: {  	[dreg:$0x4] =	wrdreg $0xC0  }
0xad: {  	_ =	task [dreg:s9], $0x5FFFF  }
0xae: {  	[dreg:$0x1] =	wrdreg $0xFFFFFFFF  }
0xaf: {  	[dreg:$0x0] =	wrdreg $0x60  }
0xb0: {  	[dreg:$0x2] =	wrdreg s2  }
0xb1: {  	[dreg:$0x3] =	wrdreg s19  }
0xb2: {  	[dreg:$0x4] =	wrdreg s4  }
0xb3: {  	[dreg:$0x5] =	wrdreg $0x64000  }
0xb4: {  	[dreg:$0x6] =	wrdreg $0x9  }
0xb5: {  	_ =	task.clear_ibuf [dreg:s9], $0x7FFFF;
	_ =	strace $0x90000046  }
0xb6: {  	s29 =	simm.s32 $0x9;
	_ =	strace $0x80000048  }
0xb7: {  	_ =	swait.ge [sflag:s29], $0x1  }
0xb8: {  	[sflag:s29] =	ssyncadd.s32 $0xFFFFFFFF  }
0xb9: {  	_ =	strace $0x90000048  }
0xba: {  	_ =	sfence  }
0xbb: {  	s30 =	sld [smem:$0x0];
	_ =	sdelay $0x2  }
0xbc: {  	s31 =	sshll.u32 s1, $0xD;
	s1 =	sshrl.u32 s1, $0x2  }
0xbd: {  	s3 =	sand.u32 $0x4000, s31;
	s1 =	sadd.s32 s1, s30  }
0xbe: {  	s0 =	sor.u32 s3, s0;
	s1 =	sshll.u32 s1, $0x11  }
0xbf: {  	s0 =	sor.u32 s1, s0  }
0xc0: {  	s0 =	sadd.s32 $0x8F2B, s0  }
0xc1: {  	[sflag:s0] =	ssyncadd.remote.s32 $0x1  }
0xc2: {  	_ =	sfence.sel $0xFFFF  }
0xc3: {  	[dreg:$0x0] =	wrdreg $0xFFFFFFFF;
	(pc) =	sbr.abs _section_cstart, $3  }
0xc4: {  	[dreg:$0x1] =	wrdreg $0xFFFFFFFF  }
0xc5: {  	_ =	task.clear_ibuf [dreg:s9], $0x2FFFF;
	_ =	strace $0x9FFFFFFF  }
0xc6: {  	(tm) =	ssettm $0x7FFFFFFF  }
0xc7: {  	_ =	shalt  }
tec
execute0_lowered:
.L_overlay_start_1:
0x0: {  	(tag) =	ssettag $0x1  }
0x1: {  	s0 =	rddreg [dreg:$0x0]  }
0x2: {  	s1 =	rddreg [dreg:$0x2];
	s3 =	srdreg.scid  }
0x3: {  	s12 =	stileid.u32;
	s2 =	rddreg [dreg:$0x3];
	s14 =	simm.s32 $0x80  }
0x4: {  	s15 =	simm.s32 $0x6D60;
	s16 =	simm.s32 $0xAD60;
	s18 =	simm.s32 $0xED60  }
0x5: {  	s20 =	simm.s32 $0x12D60;
	s21 =	simm.s32 $0x1;
	s22 =	simm.s32 $0x2  }
0x6: {  	s23 =	simm.s32 $0x3;
	s28 =	simm.s32 $0x7;
	s29 =	simm.s32 $0x8  }
0x7: {  	s30 =	simm.s32 $0x0;
	s9 =	sand.u32 $0x1, s3;
	s11 =	smul.u32 $0x640000, s12  }
0x8: {  	s24 =	sshll.u32 s12, $0x1;
	s3 =	simm.s32 $0x0;
	s13 =	smul.u32 $0xC8000, s12  }
0x9: {  	p0 =	sne.s32 s12, $0x0;
	s4 =	sor.u32 s9, s24;
	s26 =	smul.u32 $0x320000, s9  }
0xa: {  	s5 =	ssub.s32 $0x2, s9;
	[smem:$0x7FF] =	sst s3;
	s31 =	smul.u32 $0x64000, s9  }
0xb: {  	s12 =	sshrl.u32 @!p0 s2, $0x3;
	s24 =	simm.s32 $0x4;
	s6 =	smul.u32 $0x320000, s4  }
0xc: {  	s7 =	sshrl.u32 s5, $0x1;
	s4 =	smul.u32 $0x6400, s4;
	_ =	strace $0x80000047  }
0xd: {  	s13 =	sadd.s32 s13, s1;
	s10 =	ssub.s32 s5, s7;
	s25 =	sshrl.u32 s6, $0x3  }
0xe: {  	s4 =	sshrl.u32 s4, $0x3;
	s9 =	smax.u32 s10, $0x1;
	s8 =	sadd.s32 s1, s25  }
0xf: {  	s4 =	sadd.s32 s0, s4;
	s0 =	sadd.s32 s26, s11;
	s11 =	sadd.s32 s31, s13  }
0x10: {  	s13 =	simm.s32 $0x9;
	s25 =	simm.s32 $0x5;
	s26 =	simm.s32 $0x6  }
0x11: {  	s5 =	sadd.s32 $0x62000, s8;
	s6 =	sadd.s32 $0x62800, s8;
	s0 =	sshrl.u32 s0, $0x3  }
0x12: {  	s7 =	sadd.s32 $0x63000, s8;
	s8 =	sadd.s32 $0x63800, s8;
	s10 =	sadd.s32 s0, s1  }
.LBB2_1:
0x13: {  	s0 =	simm.s32 @!p0 $0x1C09;
	s1 =	rddreg [dreg:$0x1]  }
0x14: {  	[spmem:s12], [sflag:s0] =	dma.local @!p0 [hbm:s1], $0x12C0  }
0x15: {  	s0 =	simm.s32 @!p0 $0x9  }
0x16: {  	_ =	swait.ge @!p0 [sflag:s0], $0x12C0  }
0x17: {  	[sflag:s0] =	ssyncset.done @!p0 $0x0  }
0x18: {  	[sflag:s0] =	ssyncadd.s32 @!p0 $0xFFFFED40  }
0x19: {  	[tilespmem:s3], [sflag:$0x9] =	stream.linear.gather [hbm4b:s4+s3], $0x6400, $0x38;
	[tilespmem:$0x16D60] =	vst v63  }
0x1a: {  	_ =	swait.ge [sflag:s13], $0x6400  }
0x1b: {  	[sflag:s13] =	ssyncset.done $0x0  }
0x1c: {  	[sflag:s13] =	ssyncadd.s32 $0xFFFF9C00  }
0x1d: {  	[bflag:$0x0] =	sbarrier.arrive $0xFFFF  }
0x1e: {  	[tilespmem:s15], [sflag:$0x1] =	stream.indirect.gather [spmem:s2], $0x80, s3, s14, $0xb8;
	[tilespmem:$0x16D60] =	vst v63  }
0x1f: {  	_ = 	snop  }
0x20: {  	[tilespmem:s16], [sflag:$0x2] =	stream.indirect.gather [spmem:s2], $0x80, s14, s14, $0xb8;
	[tilespmem:$0x16D60] =	vst v63  }
0x21: {  	s17 =	simm.s32 $0x100  }
0x22: {  	[tilespmem:s18], [sflag:$0x3] =	stream.indirect.gather [spmem:s2], $0x80, s17, s14, $0xb8;
	[tilespmem:$0x16D60] =	vst v63  }
0x23: {  	s19 =	simm.s32 $0x180  }
0x24: {  	[tilespmem:s20], [sflag:$0x4] =	stream.indirect.gather [spmem:s2], $0x80, s19, s14, $0xb8;
	[tilespmem:$0x16D60] =	vst v63  }
0x25: {  	_ =	swait.ge [sflag:s21], $0x4000  }
0x26: {  	[sflag:s21] =	ssyncset.done $0x0  }
0x27: {  	s1 =	sadd.s32 $0x0, s10;
	[sflag:s21] =	ssyncadd.s32 $0xFFFFC000  }
0x28: {  	[hbm4b:s1+s3] =	stream.linear.scatter [tilespmem:s15], [sflag:$0x5], $0x4000, $0x38;
	[tilespmem:$0x16D60] =	vst v63  }
0x29: {  	_ =	swait.ge [sflag:s22], $0x4000  }
0x2a: {  	s0 =	sadd.s32 $0x0, s11;
	[sflag:s22] =	ssyncset.done $0x0  }
0x2b: {  	s17 =	sadd.s32 $0x800, s0;
	[sflag:s22] =	ssyncadd.s32 $0xFFFFC000  }
0x2c: {  	[hbm4b:s17+s3] =	stream.linear.scatter [tilespmem:s16], [sflag:$0x6], $0x4000, $0x38;
	[tilespmem:$0x16D60] =	vst v63  }
0x2d: {  	_ =	swait.ge [sflag:s23], $0x4000  }
0x2e: {  	[sflag:s23] =	ssyncset.done $0x0  }
0x2f: {  	s19 =	sadd.s32 $0x1000, s0;
	[sflag:s23] =	ssyncadd.s32 $0xFFFFC000  }
0x30: {  	[hbm4b:s19+s3] =	stream.linear.scatter [tilespmem:s18], [sflag:$0x7], $0x4000, $0x38;
	[tilespmem:$0x16D60] =	vst v63  }
0x31: {  	_ =	swait.ge [sflag:s24], $0x4000  }
0x32: {  	[sflag:s24] =	ssyncset.done $0x0  }
0x33: {  	s0 =	sadd.s32 $0x1800, s0;
	[sflag:s24] =	ssyncadd.s32 $0xFFFFC000  }
0x34: {  	[hbm4b:s0+s3] =	stream.linear.scatter [tilespmem:s20], [sflag:$0x8], $0x4000, $0x38;
	[tilespmem:$0x16D60] =	vst v63  }
0x35: {  	_ =	swait.ge [sflag:s25], $0x4000  }
0x36: {  	[sflag:s25] =	ssyncset.done $0x0  }
0x37: {  	s1 =	simm.s32 $0x200;
	[sflag:s25] =	ssyncadd.s32 $0xFFFFC000  }
0x38: {  	[tilespmem:s15], [sflag:$0x1] =	stream.indirect.gather [spmem:s2], $0x80, s1, s14, $0xb8;
	[tilespmem:$0x16D60] =	vst v63  }
0x39: {  	_ =	swait.ge [sflag:s26], $0x4000  }
0x3a: {  	[sflag:s26] =	ssyncset.done $0x0  }
0x3b: {  	s17 =	simm.s32 $0x280;
	[sflag:s26] =	ssyncadd.s32 $0xFFFFC000  }
0x3c: {  	[tilespmem:s16], [sflag:$0x2] =	stream.indirect.gather [spmem:s2], $0x80, s17, s14, $0xb8;
	[tilespmem:$0x16D60] =	vst v63  }
0x3d: {  	_ =	swait.ge [sflag:s28], $0x4000  }
0x3e: {  	[sflag:s28] =	ssyncset.done $0x0  }
0x3f: {  	s19 =	simm.s32 $0x300;
	[sflag:s28] =	ssyncadd.s32 $0xFFFFC000  }
0x40: {  	[tilespmem:s18], [sflag:$0x3] =	stream.indirect.gather [spmem:s2], $0x80, s19, s14, $0xb8;
	[tilespmem:$0x16D60] =	vst v63  }
0x41: {  	_ =	swait.ge [sflag:s29], $0x4000  }
0x42: {  	s31 =	simm.s32 $0x380;
	[sflag:s29] =	ssyncset.done $0x0  }
0x43: {  	s0 =	simm.s32 $0x580;
	s1 =	simm.s32 $0x2000;
	[sflag:s29] =	ssyncadd.s32 $0xFFFFC000  }
.LBB2_2:
0x44: {  	[tilespmem:s20], [sflag:$0x4] =	stream.indirect.gather [spmem:s2], $0x80, s31, s14, $0xb8;
	[tilespmem:$0x16D60] =	vst v63  }
0x45: {  	s17 =	smov.u32 s1;
	s31 =	smov.u32 s0  }
0x46: {  	p1 =	sne.s32 s1, $0x60000;
	s1 =	sadd.s32 $0x2000, s1;
	_ =	swait.ge [sflag:s21], $0x4000  }
0x47: {  	[sflag:s21] =	ssyncset.done $0x0  }
0x48: {  	s19 =	sadd.s32 s17, s10;
	[sflag:s21] =	ssyncadd.s32 $0xFFFFC000  }
0x49: {  	[hbm4b:s19+s3] =	stream.linear.scatter [tilespmem:s15], [sflag:$0x5], $0x4000, $0x38;
	[tilespmem:$0x16D60] =	vst v63  }
0x4a: {  	_ =	swait.ge [sflag:s22], $0x4000  }
0x4b: {  	s17 =	sadd.s32 s17, s11;
	[sflag:s22] =	ssyncset.done $0x0  }
0x4c: {  	s19 =	sadd.s32 $0x800, s17;
	[sflag:s22] =	ssyncadd.s32 $0xFFFFC000  }
0x4d: {  	[hbm4b:s19+s3] =	stream.linear.scatter [tilespmem:s16], [sflag:$0x6], $0x4000, $0x38;
	[tilespmem:$0x16D60] =	vst v63  }
0x4e: {  	_ =	swait.ge [sflag:s23], $0x4000  }
0x4f: {  	[sflag:s23] =	ssyncset.done $0x0  }
0x50: {  	s19 =	sadd.s32 $0x1000, s17;
	[sflag:s23] =	ssyncadd.s32 $0xFFFFC000  }
0x51: {  	[hbm4b:s19+s3] =	stream.linear.scatter [tilespmem:s18], [sflag:$0x7], $0x4000, $0x38;
	[tilespmem:$0x16D60] =	vst v63  }
0x52: {  	_ =	swait.ge [sflag:s24], $0x4000  }
0x53: {  	[sflag:s24] =	ssyncset.done $0x0  }
0x54: {  	s17 =	sadd.s32 $0x1800, s17;
	[sflag:s24] =	ssyncadd.s32 $0xFFFFC000  }
0x55: {  	[hbm4b:s17+s3] =	stream.linear.scatter [tilespmem:s20], [sflag:$0x8], $0x4000, $0x38;
	[tilespmem:$0x16D60] =	vst v63  }
0x56: {  	_ =	swait.ge [sflag:s25], $0x4000  }
0x57: {  	[sflag:s25] =	ssyncset.done $0x0  }
0x58: {  	s17 =	sadd.s32 $0xFFFFFE80, s0;
	[sflag:s25] =	ssyncadd.s32 $0xFFFFC000  }
0x59: {  	[tilespmem:s15], [sflag:$0x1] =	stream.indirect.gather [spmem:s2], $0x80, s17, s14, $0xb8;
	[tilespmem:$0x16D60] =	vst v63  }
0x5a: {  	_ =	swait.ge [sflag:s26], $0x4000  }
0x5b: {  	[sflag:s26] =	ssyncset.done $0x0  }
0x5c: {  	s17 =	sadd.s32 $0xFFFFFF00, s0;
	[sflag:s26] =	ssyncadd.s32 $0xFFFFC000  }
0x5d: {  	[tilespmem:s16], [sflag:$0x2] =	stream.indirect.gather [spmem:s2], $0x80, s17, s14, $0xb8;
	[tilespmem:$0x16D60] =	vst v63  }
0x5e: {  	_ =	swait.ge [sflag:s28], $0x4000  }
0x5f: {  	[sflag:s28] =	ssyncset.done $0x0  }
.Ltmp0:
0x60: {  	s17 =	sadd.s32 $0xFFFFFF80, s0;
	[sflag:s28] =	ssyncadd.s32 $0xFFFFC000;
	(pc) =	sbr.rel @p1 .LBB2_2-.Ltmp0, $4  }
0x61: {  	[tilespmem:s18], [sflag:$0x3] =	stream.indirect.gather [spmem:s2], $0x80, s17, s14, $0xb8;
	[tilespmem:$0x16D60] =	vst v63  }
0x62: {  	_ =	swait.ge [sflag:s29], $0x4000  }
0x63: {  	[sflag:s29] =	ssyncset.done $0x0  }
0x64: {  	s0 =	sadd.s32 $0x200, s0;
	[sflag:s29] =	ssyncadd.s32 $0xFFFFC000  }
0x65: {  	[tilespmem:s20], [sflag:$0x4] =	stream.indirect.gather [spmem:s2], $0x80, s31, s14, $0xb8;
	[tilespmem:$0x16D60] =	vst v63  }
0x66: {  	_ =	swait.ge [sflag:s21], $0x4000  }
0x67: {  	[sflag:s21] =	ssyncset.done $0x0  }
0x68: {  	[sflag:s21] =	ssyncadd.s32 $0xFFFFC000  }
0x69: {  	[hbm4b:s5+s3] =	stream.linear.scatter [tilespmem:s15], [sflag:$0x5], $0x4000, $0x38;
	[tilespmem:$0x16D60] =	vst v63  }
0x6a: {  	_ =	swait.ge [sflag:s22], $0x4000  }
0x6b: {  	[sflag:s22] =	ssyncset.done $0x0  }
0x6c: {  	[sflag:s22] =	ssyncadd.s32 $0xFFFFC000  }
0x6d: {  	[hbm4b:s6+s3] =	stream.linear.scatter [tilespmem:s16], [sflag:$0x6], $0x4000, $0x38;
	[tilespmem:$0x16D60] =	vst v63  }
0x6e: {  	_ =	swait.ge [sflag:s23], $0x4000  }
0x6f: {  	[sflag:s23] =	ssyncset.done $0x0  }
0x70: {  	[sflag:s23] =	ssyncadd.s32 $0xFFFFC000  }
0x71: {  	[hbm4b:s7+s3] =	stream.linear.scatter [tilespmem:s18], [sflag:$0x7], $0x4000, $0x38;
	[tilespmem:$0x16D60] =	vst v63  }
0x72: {  	_ =	swait.ge [sflag:s24], $0x4000  }
0x73: {  	[sflag:s24] =	ssyncset.done $0x0  }
0x74: {  	[sflag:s24] =	ssyncadd.s32 $0xFFFFC000  }
0x75: {  	[hbm4b:s8+s3] =	stream.linear.scatter [tilespmem:s20], [sflag:$0x8], $0x4000, $0x38;
	[tilespmem:$0x16D60] =	vst v63  }
0x76: {  	_ =	swait.ge [sflag:s25], $0x4000  }
0x77: {  	[sflag:s25] =	ssyncset.done $0x0  }
0x78: {  	[sflag:s25] =	ssyncadd.s32 $0xFFFFC000  }
0x79: {  	_ =	swait.ge [sflag:s26], $0x4000  }
0x7a: {  	[sflag:s26] =	ssyncset.done $0x0  }
0x7b: {  	s30 =	sadd.s32 $0x1, s30;
	[sflag:s26] =	ssyncadd.s32 $0xFFFFC000  }
0x7c: {  	p1 =	sne.s32 s30, s9;
	_ =	swait.ge [sflag:s28], $0x4000  }
.Ltmp1:
0x7d: {  	[sflag:s28] =	ssyncset.done $0x0;
	(pc) =	sbr.rel @p1 .LBB2_1-.Ltmp1, $4  }
0x7e: {  	[sflag:s28] =	ssyncadd.s32 $0xFFFFC000  }
0x7f: {  	_ =	swait.ge [sflag:s29], $0x4000  }
0x80: {  	[sflag:s29] =	ssyncset.done $0x0  }
0x81: {  	[sflag:s29] =	ssyncadd.s32 $0xFFFFC000  }
0x82: {  	_ =	sfence.sel $0x180000  }
0x83: {  	[bflag:$0x0] =	sbarrier.arrive $0xFFFF  }
0x84: {  	_ =	strace $0x90000047  }
0x85: {  	[bflag:$0x2] =	sbarrier.arrive $0xFFFF  }
0x86: {  	s0 =	rddreg [dreg:$0x4]  }
0x87: {  	s0 =	sadd.s32 @!p0 $0x100000, s0  }
0x88: {  	[sflag:s0] =	ssyncadd.tile.s32 @!p0 $0x1;
	_ =	shalt  }
.Lfunc_end2:
_tile_overlayer_lowered:
.L_overlay_start_2:
0x89: {  	(tag) =	ssettag $0x2  }
0x8a: {  	s0 =	rddreg [dreg:$0x0];
	s2 =	stileid.u32  }
0x8b: {  	s1 =	rddreg [dreg:$0x1];
	p0 =	sne.s32 s2, $0x0  }
0x8c: {  	s3 =	rddreg [dreg:$0x2];
	[bflag:$0x3] =	sbarrier.arrive $0xFFFF;
	s2 =	simm.s32 @!p0 $0x1C09  }
0x8d: {  	[timem:s3], [sflag:s2] =	dma.local @!p0 [hbm:s0], s1  }
0x8e: {  	s0 =	simm.s32 @!p0 $0x9  }
0x8f: {  	_ =	swait.ge @!p0 [sflag:s0], s1  }
0x90: {  	s1 =	ssub.s32 @!p0 $0x0, s1;
	[sflag:s0] =	ssyncset.done @!p0 $0x0  }
0x91: {  	[sflag:s0] =	ssyncadd.s32 @!p0 s1  }
0x92: {  	[bflag:$0x3] =	sbarrier.arrive $0xFFFF  }
0x93: {  	_ =	shalt  }

</sc_bundles>
